<compile_context>
chip_gen: v7x
topology: tpu7x:2x2x1
jax: 0.10.2.dev20260603
libtpu: 0.0.44.dev20260713+nightly
codegen_flags: <defaults>
</compile_context>

<pallas_src>
import functools

import jax
import jax.numpy as jnp
from jax import lax
from jax.experimental import pallas as pl
from jax.experimental.pallas import tpu as pltpu
from jax.experimental.pallas import tpu_sc as plsc

_PACK = 4
_CHUNK = 128
_LANES = 16


def kernel(user_ids, table):
    (B,) = user_ids.shape
    V, D = table.shape
    info = plsc.get_sparse_core_info()
    nw = info.num_cores * info.num_subcores
    b_per_w = B // nw
    n_chunks = b_per_w // _CHUNK
    dp = D * _PACK
    out_rows_w = b_per_w // _PACK
    segs = dp // _LANES
    h_per_id = D // _LANES

    idx = user_ids.astype(jnp.int32)
    pidx3 = (idx // _PACK).reshape(nw, n_chunks, _CHUNK)
    rem3 = jnp.pad(
        (idx % _PACK).reshape(nw, out_rows_w, _PACK),
        ((0, 0), (0, 0), (0, _LANES - _PACK)),
    )
    table_p = table.reshape(V // _PACK, dp) + 0.0

    mesh = plsc.VectorSubcoreMesh(core_axis_name="c", subcore_axis_name="s")

    @functools.partial(
        pl.kernel,
        mesh=mesh,
        out_type=jax.ShapeDtypeStruct((B // _PACK, dp), jnp.float32),
        scratch_types=[
            pltpu.VMEM((n_chunks, _CHUNK), jnp.int32),
            pltpu.VMEM((out_rows_w, _LANES), jnp.int32),
            pltpu.VMEM((b_per_w, dp), jnp.float32),
            pltpu.VMEM((out_rows_w, dp), jnp.float32),
            pltpu.SemaphoreType.DMA,
        ],
    )
    def gather_kernel(
        pidx_hbm, rem_hbm, table_hbm, out_hbm, pidx_v, rem_v, rows_v, out_v, sem
    ):
        wid = lax.axis_index("s") * info.num_cores + lax.axis_index("c")
        pltpu.sync_copy(pidx_hbm.at[wid], pidx_v)
        pltpu.sync_copy(rem_hbm.at[wid], rem_v)
        copies = [
            pltpu.async_copy(
                table_hbm.at[pidx_v.at[j]],
                rows_v.at[pl.ds(j * _CHUNK, _CHUNK)],
                sem,
            )
            for j in range(n_chunks)
        ]
        for c in copies:
            c.wait()

        def body(o, carry):
            rv = rem_v[o, pl.ds(0, _LANES)]
            for j in range(_PACK):
                r = rv[j]
                for h in range(h_per_id):
                    val = rows_v[o * _PACK + j, pl.ds(r * D + h * _LANES, _LANES)]
                    out_v[o, pl.ds(j * D + h * _LANES, _LANES)] = val
            return carry

        lax.fori_loop(0, out_rows_w, body, 0)
        pltpu.sync_copy(out_v, out_hbm.at[pl.ds(wid * out_rows_w, out_rows_w)])

    out_p = gather_kernel(pidx3, rem3, table_p)
    return out_p.reshape(B, D)

# --- scband reference (transcript-rebuilt; emitter-appended) ---
"""Pipeline reference for scband-user-embedding-model-42734924595753 (READ-ONLY COPY).

The authoritative reference and input builder live on the scoring server;
editing this copy changes nothing except your own understanding.
"""

import jax, jax.numpy as jnp
import numpy as np

NUM_USERS = 1000000
EMBED_DIM = 32
BATCH = 16384

def setup_inputs(seed: int = 0) -> dict:
    key = jax.random.key(seed)
    k_ids, k_tab = jax.random.split(key)
    user_ids = jax.random.randint(k_ids, (BATCH,), 0, NUM_USERS, dtype=jnp.int64 if jax.config.jax_enable_x64 else jnp.int32)
    table = jax.random.normal(k_tab, (NUM_USERS, EMBED_DIM), dtype=jnp.float32)
    return {"user_ids": user_ids, "table": table}

def reference(user_ids, table):
    # nn.Embedding lookup: table[user_ids]
    return jnp.take(table, user_ids, axis=0)

if __name__ == "__main__":
    import jax
    _d = setup_inputs()
    print(jax.jit(kernel)(*tuple(_d.values())))

</pallas_src>

<mosaic_0001>
#map = affine_map<(d0, d1) -> (0, 0, 0)>
#map1 = affine_map<(d0, d1) -> (0, 0)>
module attributes {stable_mosaic.version = 14 : i64} {
  func.func @gather_kernel(%arg0: i32, %arg1: i32, %arg2: memref<32x4x128xi32, #tpu.memory_space<hbm>>, %arg3: memref<32x128x16xi32, #tpu.memory_space<hbm>>, %arg4: memref<250000x128xf32, #tpu.memory_space<hbm>>, %arg5: memref<4096x128xf32, #tpu.memory_space<hbm>>, %arg6: memref<4x128xi32, #tpu.memory_space<vmem>>, %arg7: memref<128x16xi32, #tpu.memory_space<vmem>>, %arg8: memref<512x128xf32, #tpu.memory_space<vmem>>, %arg9: memref<128x128xf32, #tpu.memory_space<vmem>>, %arg10: memref<!tpu.dma_semaphore, #tpu.memory_space<semaphore_mem>>) attributes {dimension_semantics = [#tpu.dimension_semantics<core_parallel>, #tpu.dimension_semantics<subcore_parallel>], iteration_bounds = array<i64: 2, 16>, scalar_prefetch = 0 : i64, scratch_operands = 5 : i64, tpu.core_type = #tpu.core_type<sc_vector_subcore>, window_params = [{transform_indices = #map}, {transform_indices = #map}, {transform_indices = #map1}, {transform_indices = #map1}]} {
    %mul3A = arith.constant 2 : i32
    %mul3A_0 = arith.muli %arg1, %mul3A : i32
    %add3A = arith.addi %mul3A_0, %arg0 : i32
    "tpu.region"() ({
      %run_scoped3A = tpu.sem_alloc : memref<!tpu.dma_semaphore, #tpu.memory_space<semaphore_mem>>
      %dma_start3A_86 = arith.constant 0 : i32
      %dma_start3A_87 = arith.constant 0 : i32
      %dma_start3A_88 = tpu.memref_slice %arg2[%add3A, %dma_start3A_86, %dma_start3A_87] : memref<32x4x128xi32, #tpu.memory_space<hbm>> -> memref<1x4x128xi32, #tpu.memory_space<hbm>>
      %dma_start3A_89 = tpu.memref_squeeze %dma_start3A_88 : memref<1x4x128xi32, #tpu.memory_space<hbm>> -> memref<4x128xi32, #tpu.memory_space<hbm>>
      %dma_start3A_90 = arith.constant 0 : i32
      %dma_start3A_91 = arith.constant 0 : i32
      %dma_start3A_92 = tpu.memref_slice %arg2[%add3A, %dma_start3A_90, %dma_start3A_91] : memref<32x4x128xi32, #tpu.memory_space<hbm>> -> memref<1x4x128xi32, #tpu.memory_space<hbm>>
      %dma_start3A_93 = tpu.memref_squeeze %dma_start3A_92 : memref<1x4x128xi32, #tpu.memory_space<hbm>> -> memref<4x128xi32, #tpu.memory_space<hbm>>
      tpu.enqueue_dma source(%dma_start3A_93 : memref<4x128xi32, #tpu.memory_space<hbm>>) target(%arg6 : memref<4x128xi32, #tpu.memory_space<vmem>>) target_semaphore(%run_scoped3A : memref<!tpu.dma_semaphore, #tpu.memory_space<semaphore_mem>>)
      %dma_wait3A_94 = arith.constant 0 : i32
      %dma_wait3A_95 = arith.constant 0 : i32
      %dma_wait3A_96 = tpu.memref_slice %arg2[%add3A, %dma_wait3A_94, %dma_wait3A_95] : memref<32x4x128xi32, #tpu.memory_space<hbm>> -> memref<1x4x128xi32, #tpu.memory_space<hbm>>
      %dma_wait3A_97 = tpu.memref_squeeze %dma_wait3A_96 : memref<1x4x128xi32, #tpu.memory_space<hbm>> -> memref<4x128xi32, #tpu.memory_space<hbm>>
      %dma_wait3A_98 = arith.constant 0 : i32
      %dma_wait3A_99 = arith.constant 0 : i32
      %dma_wait3A_100 = tpu.memref_slice %arg2[%add3A, %dma_wait3A_98, %dma_wait3A_99] : memref<32x4x128xi32, #tpu.memory_space<hbm>> -> memref<1x4x128xi32, #tpu.memory_space<hbm>>
      %dma_wait3A_101 = tpu.memref_squeeze %dma_wait3A_100 : memref<1x4x128xi32, #tpu.memory_space<hbm>> -> memref<4x128xi32, #tpu.memory_space<hbm>>
      tpu.wait_dma2 semaphore(%run_scoped3A : memref<!tpu.dma_semaphore, #tpu.memory_space<semaphore_mem>>) src(%dma_wait3A_101 : memref<4x128xi32, #tpu.memory_space<hbm>>) dst(%arg6 : memref<4x128xi32, #tpu.memory_space<vmem>>)
      tpu.yield
    }) : () -> ()
    "tpu.region"() ({
      %run_scoped3A = tpu.sem_alloc : memref<!tpu.dma_semaphore, #tpu.memory_space<semaphore_mem>>
      %dma_start3A_86 = arith.constant 0 : i32
      %dma_start3A_87 = arith.constant 0 : i32
      %dma_start3A_88 = tpu.memref_slice %arg3[%add3A, %dma_start3A_86, %dma_start3A_87] : memref<32x128x16xi32, #tpu.memory_space<hbm>> -> memref<1x128x16xi32, #tpu.memory_space<hbm>>
      %dma_start3A_89 = tpu.memref_squeeze %dma_start3A_88 : memref<1x128x16xi32, #tpu.memory_space<hbm>> -> memref<128x16xi32, #tpu.memory_space<hbm>>
      %dma_start3A_90 = arith.constant 0 : i32
      %dma_start3A_91 = arith.constant 0 : i32
      %dma_start3A_92 = tpu.memref_slice %arg3[%add3A, %dma_start3A_90, %dma_start3A_91] : memref<32x128x16xi32, #tpu.memory_space<hbm>> -> memref<1x128x16xi32, #tpu.memory_space<hbm>>
      %dma_start3A_93 = tpu.memref_squeeze %dma_start3A_92 : memref<1x128x16xi32, #tpu.memory_space<hbm>> -> memref<128x16xi32, #tpu.memory_space<hbm>>
      tpu.enqueue_dma source(%dma_start3A_93 : memref<128x16xi32, #tpu.memory_space<hbm>>) target(%arg7 : memref<128x16xi32, #tpu.memory_space<vmem>>) target_semaphore(%run_scoped3A : memref<!tpu.dma_semaphore, #tpu.memory_space<semaphore_mem>>)
      %dma_wait3A_94 = arith.constant 0 : i32
      %dma_wait3A_95 = arith.constant 0 : i32
      %dma_wait3A_96 = tpu.memref_slice %arg3[%add3A, %dma_wait3A_94, %dma_wait3A_95] : memref<32x128x16xi32, #tpu.memory_space<hbm>> -> memref<1x128x16xi32, #tpu.memory_space<hbm>>
      %dma_wait3A_97 = tpu.memref_squeeze %dma_wait3A_96 : memref<1x128x16xi32, #tpu.memory_space<hbm>> -> memref<128x16xi32, #tpu.memory_space<hbm>>
      %dma_wait3A_98 = arith.constant 0 : i32
      %dma_wait3A_99 = arith.constant 0 : i32
      %dma_wait3A_100 = tpu.memref_slice %arg3[%add3A, %dma_wait3A_98, %dma_wait3A_99] : memref<32x128x16xi32, #tpu.memory_space<hbm>> -> memref<1x128x16xi32, #tpu.memory_space<hbm>>
      %dma_wait3A_101 = tpu.memref_squeeze %dma_wait3A_100 : memref<1x128x16xi32, #tpu.memory_space<hbm>> -> memref<128x16xi32, #tpu.memory_space<hbm>>
      tpu.wait_dma2 semaphore(%run_scoped3A : memref<!tpu.dma_semaphore, #tpu.memory_space<semaphore_mem>>) src(%dma_wait3A_101 : memref<128x16xi32, #tpu.memory_space<hbm>>) dst(%arg7 : memref<128x16xi32, #tpu.memory_space<vmem>>)
      tpu.yield
    }) : () -> ()
    %dma_start3A = arith.constant 0 : i32
    %dma_start3A_1 = arith.constant 0 : i32
    %dma_start3A_2 = arith.constant 0 : i32
    %dma_start3A_3 = tpu.memref_slice %arg8[%dma_start3A_1, %dma_start3A_2] : memref<512x128xf32, #tpu.memory_space<vmem>> -> memref<128x128xf32, #tpu.memory_space<vmem>>
    %dma_start3A_4 = arith.constant 0 : i32
    %dma_start3A_5 = tpu.memref_slice %arg6[%dma_start3A, %dma_start3A_4] : memref<4x128xi32, #tpu.memory_space<vmem>> -> memref<1x128xi32, #tpu.memory_space<vmem>>
    %dma_start3A_6 = tpu.memref_squeeze %dma_start3A_5 : memref<1x128xi32, #tpu.memory_space<vmem>> -> memref<128xi32, #tpu.memory_space<vmem>>
    %dma_start3A_7 = arith.constant 0 : i32
    %dma_start3A_8 = arith.constant 0 : i32
    %dma_start3A_9 = tpu.memref_slice %arg4[%dma_start3A_7, %dma_start3A_8] : memref<250000x128xf32, #tpu.memory_space<hbm>> -> memref<250000x128xf32, #tpu.memory_space<hbm>>
    tpu.enqueue_indirect_dma source(%dma_start3A_9 : memref<250000x128xf32, #tpu.memory_space<hbm>>) target(%dma_start3A_3 : memref<128x128xf32, #tpu.memory_space<vmem>>) offsets(%dma_start3A_6 : memref<128xi32, #tpu.memory_space<vmem>>) semaphore(%arg10 : memref<!tpu.dma_semaphore, #tpu.memory_space<semaphore_mem>>)
    %dma_start3A_10 = arith.constant 1 : i32
    %dma_start3A_11 = arith.constant 128 : i32
    %dma_start3A_12 = arith.constant 0 : i32
    %dma_start3A_13 = tpu.memref_slice %arg8[%dma_start3A_11, %dma_start3A_12] : memref<512x128xf32, #tpu.memory_space<vmem>> -> memref<128x128xf32, #tpu.memory_space<vmem>>
    %dma_start3A_14 = arith.constant 0 : i32
    %dma_start3A_15 = tpu.memref_slice %arg6[%dma_start3A_10, %dma_start3A_14] : memref<4x128xi32, #tpu.memory_space<vmem>> -> memref<1x128xi32, #tpu.memory_space<vmem>>
    %dma_start3A_16 = tpu.memref_squeeze %dma_start3A_15 : memref<1x128xi32, #tpu.memory_space<vmem>> -> memref<128xi32, #tpu.memory_space<vmem>>
    %dma_start3A_17 = arith.constant 0 : i32
    %dma_start3A_18 = arith.constant 0 : i32
    %dma_start3A_19 = tpu.memref_slice %arg4[%dma_start3A_17, %dma_start3A_18] : memref<250000x128xf32, #tpu.memory_space<hbm>> -> memref<250000x128xf32, #tpu.memory_space<hbm>>
    tpu.enqueue_indirect_dma source(%dma_start3A_19 : memref<250000x128xf32, #tpu.memory_space<hbm>>) target(%dma_start3A_13 : memref<128x128xf32, #tpu.memory_space<vmem>>) offsets(%dma_start3A_16 : memref<128xi32, #tpu.memory_space<vmem>>) semaphore(%arg10 : memref<!tpu.dma_semaphore, #tpu.memory_space<semaphore_mem>>)
    %dma_start3A_20 = arith.constant 2 : i32
    %dma_start3A_21 = arith.constant 256 : i32
    %dma_start3A_22 = arith.constant 0 : i32
    %dma_start3A_23 = tpu.memref_slice %arg8[%dma_start3A_21, %dma_start3A_22] : memref<512x128xf32, #tpu.memory_space<vmem>> -> memref<128x128xf32, #tpu.memory_space<vmem>>
    %dma_start3A_24 = arith.constant 0 : i32
    %dma_start3A_25 = tpu.memref_slice %arg6[%dma_start3A_20, %dma_start3A_24] : memref<4x128xi32, #tpu.memory_space<vmem>> -> memref<1x128xi32, #tpu.memory_space<vmem>>
    %dma_start3A_26 = tpu.memref_squeeze %dma_start3A_25 : memref<1x128xi32, #tpu.memory_space<vmem>> -> memref<128xi32, #tpu.memory_space<vmem>>
    %dma_start3A_27 = arith.constant 0 : i32
    %dma_start3A_28 = arith.constant 0 : i32
    %dma_start3A_29 = tpu.memref_slice %arg4[%dma_start3A_27, %dma_start3A_28] : memref<250000x128xf32, #tpu.memory_space<hbm>> -> memref<250000x128xf32, #tpu.memory_space<hbm>>
    tpu.enqueue_indirect_dma source(%dma_start3A_29 : memref<250000x128xf32, #tpu.memory_space<hbm>>) target(%dma_start3A_23 : memref<128x128xf32, #tpu.memory_space<vmem>>) offsets(%dma_start3A_26 : memref<128xi32, #tpu.memory_space<vmem>>) semaphore(%arg10 : memref<!tpu.dma_semaphore, #tpu.memory_space<semaphore_mem>>)
    %dma_start3A_30 = arith.constant 3 : i32
    %dma_start3A_31 = arith.constant 384 : i32
    %dma_start3A_32 = arith.constant 0 : i32
    %dma_start3A_33 = tpu.memref_slice %arg8[%dma_start3A_31, %dma_start3A_32] : memref<512x128xf32, #tpu.memory_space<vmem>> -> memref<128x128xf32, #tpu.memory_space<vmem>>
    %dma_start3A_34 = arith.constant 0 : i32
    %dma_start3A_35 = tpu.memref_slice %arg6[%dma_start3A_30, %dma_start3A_34] : memref<4x128xi32, #tpu.memory_space<vmem>> -> memref<1x128xi32, #tpu.memory_space<vmem>>
    %dma_start3A_36 = tpu.memref_squeeze %dma_start3A_35 : memref<1x128xi32, #tpu.memory_space<vmem>> -> memref<128xi32, #tpu.memory_space<vmem>>
    %dma_start3A_37 = arith.constant 0 : i32
    %dma_start3A_38 = arith.constant 0 : i32
    %dma_start3A_39 = tpu.memref_slice %arg4[%dma_start3A_37, %dma_start3A_38] : memref<250000x128xf32, #tpu.memory_space<hbm>> -> memref<250000x128xf32, #tpu.memory_space<hbm>>
    tpu.enqueue_indirect_dma source(%dma_start3A_39 : memref<250000x128xf32, #tpu.memory_space<hbm>>) target(%dma_start3A_33 : memref<128x128xf32, #tpu.memory_space<vmem>>) offsets(%dma_start3A_36 : memref<128xi32, #tpu.memory_space<vmem>>) semaphore(%arg10 : memref<!tpu.dma_semaphore, #tpu.memory_space<semaphore_mem>>)
    %dma_wait3A = arith.constant 0 : i32
    %dma_wait3A_40 = arith.constant 0 : i32
    %dma_wait3A_41 = arith.constant 0 : i32
    %dma_wait3A_42 = tpu.memref_slice %arg8[%dma_wait3A_40, %dma_wait3A_41] : memref<512x128xf32, #tpu.memory_space<vmem>> -> memref<128x128xf32, #tpu.memory_space<vmem>>
    %dma_wait3A_43 = arith.constant 0 : i32
    %dma_wait3A_44 = tpu.memref_slice %arg6[%dma_wait3A, %dma_wait3A_43] : memref<4x128xi32, #tpu.memory_space<vmem>> -> memref<1x128xi32, #tpu.memory_space<vmem>>
    %dma_wait3A_45 = tpu.memref_squeeze %dma_wait3A_44 : memref<1x128xi32, #tpu.memory_space<vmem>> -> memref<128xi32, #tpu.memory_space<vmem>>
    %dma_wait3A_46 = arith.constant 0 : i32
    %dma_wait3A_47 = arith.constant 0 : i32
    %dma_wait3A_48 = tpu.memref_slice %arg4[%dma_wait3A_46, %dma_wait3A_47] : memref<250000x128xf32, #tpu.memory_space<hbm>> -> memref<250000x128xf32, #tpu.memory_space<hbm>>
    tpu.wait_indirect_dma semaphore(%arg10 : memref<!tpu.dma_semaphore, #tpu.memory_space<semaphore_mem>>) src(%dma_wait3A_48 : memref<250000x128xf32, #tpu.memory_space<hbm>>) dst(%dma_wait3A_42 : memref<128x128xf32, #tpu.memory_space<vmem>>)
    %dma_wait3A_49 = arith.constant 1 : i32
    %dma_wait3A_50 = arith.constant 128 : i32
    %dma_wait3A_51 = arith.constant 0 : i32
    %dma_wait3A_52 = tpu.memref_slice %arg8[%dma_wait3A_50, %dma_wait3A_51] : memref<512x128xf32, #tpu.memory_space<vmem>> -> memref<128x128xf32, #tpu.memory_space<vmem>>
    %dma_wait3A_53 = arith.constant 0 : i32
    %dma_wait3A_54 = tpu.memref_slice %arg6[%dma_wait3A_49, %dma_wait3A_53] : memref<4x128xi32, #tpu.memory_space<vmem>> -> memref<1x128xi32, #tpu.memory_space<vmem>>
    %dma_wait3A_55 = tpu.memref_squeeze %dma_wait3A_54 : memref<1x128xi32, #tpu.memory_space<vmem>> -> memref<128xi32, #tpu.memory_space<vmem>>
    %dma_wait3A_56 = arith.constant 0 : i32
    %dma_wait3A_57 = arith.constant 0 : i32
    %dma_wait3A_58 = tpu.memref_slice %arg4[%dma_wait3A_56, %dma_wait3A_57] : memref<250000x128xf32, #tpu.memory_space<hbm>> -> memref<250000x128xf32, #tpu.memory_space<hbm>>
    tpu.wait_indirect_dma semaphore(%arg10 : memref<!tpu.dma_semaphore, #tpu.memory_space<semaphore_mem>>) src(%dma_wait3A_58 : memref<250000x128xf32, #tpu.memory_space<hbm>>) dst(%dma_wait3A_52 : memref<128x128xf32, #tpu.memory_space<vmem>>)
    %dma_wait3A_59 = arith.constant 2 : i32
    %dma_wait3A_60 = arith.constant 256 : i32
    %dma_wait3A_61 = arith.constant 0 : i32
    %dma_wait3A_62 = tpu.memref_slice %arg8[%dma_wait3A_60, %dma_wait3A_61] : memref<512x128xf32, #tpu.memory_space<vmem>> -> memref<128x128xf32, #tpu.memory_space<vmem>>
    %dma_wait3A_63 = arith.constant 0 : i32
    %dma_wait3A_64 = tpu.memref_slice %arg6[%dma_wait3A_59, %dma_wait3A_63] : memref<4x128xi32, #tpu.memory_space<vmem>> -> memref<1x128xi32, #tpu.memory_space<vmem>>
    %dma_wait3A_65 = tpu.memref_squeeze %dma_wait3A_64 : memref<1x128xi32, #tpu.memory_space<vmem>> -> memref<128xi32, #tpu.memory_space<vmem>>
    %dma_wait3A_66 = arith.constant 0 : i32
    %dma_wait3A_67 = arith.constant 0 : i32
    %dma_wait3A_68 = tpu.memref_slice %arg4[%dma_wait3A_66, %dma_wait3A_67] : memref<250000x128xf32, #tpu.memory_space<hbm>> -> memref<250000x128xf32, #tpu.memory_space<hbm>>
    tpu.wait_indirect_dma semaphore(%arg10 : memref<!tpu.dma_semaphore, #tpu.memory_space<semaphore_mem>>) src(%dma_wait3A_68 : memref<250000x128xf32, #tpu.memory_space<hbm>>) dst(%dma_wait3A_62 : memref<128x128xf32, #tpu.memory_space<vmem>>)
    %dma_wait3A_69 = arith.constant 3 : i32
    %dma_wait3A_70 = arith.constant 384 : i32
    %dma_wait3A_71 = arith.constant 0 : i32
    %dma_wait3A_72 = tpu.memref_slice %arg8[%dma_wait3A_70, %dma_wait3A_71] : memref<512x128xf32, #tpu.memory_space<vmem>> -> memref<128x128xf32, #tpu.memory_space<vmem>>
    %dma_wait3A_73 = arith.constant 0 : i32
    %dma_wait3A_74 = tpu.memref_slice %arg6[%dma_wait3A_69, %dma_wait3A_73] : memref<4x128xi32, #tpu.memory_space<vmem>> -> memref<1x128xi32, #tpu.memory_space<vmem>>
    %dma_wait3A_75 = tpu.memref_squeeze %dma_wait3A_74 : memref<1x128xi32, #tpu.memory_space<vmem>> -> memref<128xi32, #tpu.memory_space<vmem>>
    %dma_wait3A_76 = arith.constant 0 : i32
    %dma_wait3A_77 = arith.constant 0 : i32
    %dma_wait3A_78 = tpu.memref_slice %arg4[%dma_wait3A_76, %dma_wait3A_77] : memref<250000x128xf32, #tpu.memory_space<hbm>> -> memref<250000x128xf32, #tpu.memory_space<hbm>>
    tpu.wait_indirect_dma semaphore(%arg10 : memref<!tpu.dma_semaphore, #tpu.memory_space<semaphore_mem>>) src(%dma_wait3A_78 : memref<250000x128xf32, #tpu.memory_space<hbm>>) dst(%dma_wait3A_72 : memref<128x128xf32, #tpu.memory_space<vmem>>)
    %scan3A = arith.constant 0 : i32
    %scan3A_79 = arith.constant 0 : i32
    %scan3A_80 = arith.constant 128 : i32
    %scan3A_81 = arith.addi %scan3A_79, %scan3A_80 : i32
    %scan3A_82 = arith.constant 1 : i32
    scf.for %scan3A_86 = %scan3A_79 to %scan3A_81 step %scan3A_82  : i32 {
      %get3A = arith.index_cast %scan3A_86 : i32 to index
      %get3A_87 = arith.constant 0 : index
      %get3A_88 = tpu.vector_load %arg7[%get3A, %get3A_87] {strides = array<i32>} : memref<128x16xi32, #tpu.memory_space<vmem>>, vector<1x16xi32>,
      %get3A_89 = vector.shape_cast %get3A_88 : vector<1x16xi32> to vector<16xi32>
      %slice3A = vector.extract_strided_slice %get3A_89 {offsets = [0], sizes = [1], strides = [1]} : vector<16xi32> to vector<1xi32>
      %squeeze3A = vector.extract %slice3A[0] : i32 from vector<1xi32>
      %mul3A_90 = arith.constant 4 : i32
      %mul3A_91 = arith.muli %scan3A_86, %mul3A_90 : i32
      %add3A_92 = arith.constant 0 : i32
      %add3A_93 = arith.addi %mul3A_91, %add3A_92 : i32
      %mul3A_94 = arith.constant 32 : i32
      %mul3A_95 = arith.muli %squeeze3A, %mul3A_94 : i32
      %add3A_96 = arith.constant 0 : i32
      %add3A_97 = arith.addi %mul3A_95, %add3A_96 : i32
      %get3A_98 = arith.index_cast %add3A_93 : i32 to index
      %get3A_99 = arith.index_cast %add3A_97 : i32 to index
      %get3A_100 = tpu.vector_load %arg8[%get3A_98, %get3A_99] {strides = array<i32>} : memref<512x128xf32, #tpu.memory_space<vmem>>, vector<1x16xf32>,
      %get3A_101 = vector.shape_cast %get3A_100 : vector<1x16xf32> to vector<16xf32>
      %swap3A = arith.index_cast %scan3A_86 : i32 to index
      %swap3A_102 = arith.constant 0 : index
      %swap3A_103 = tpu.vector_load %arg9[%swap3A, %swap3A_102] {strides = array<i32>} : memref<128x128xf32, #tpu.memory_space<vmem>>, vector<1x16xf32>,
      %swap3A_104 = vector.shape_cast %swap3A_103 : vector<1x16xf32> to vector<16xf32>
      %swap3A_105 = vector.shape_cast %get3A_101 : vector<16xf32> to vector<1x16xf32>
      tpu.vector_store %arg9[%swap3A, %swap3A_102], %swap3A_105 {strides = array<i32>} : memref<128x128xf32, #tpu.memory_space<vmem>>, vector<1x16xf32>,
      %mul3A_106 = arith.constant 4 : i32
      %mul3A_107 = arith.muli %scan3A_86, %mul3A_106 : i32
      %add3A_108 = arith.constant 0 : i32
      %add3A_109 = arith.addi %mul3A_107, %add3A_108 : i32
      %mul3A_110 = arith.constant 32 : i32
      %mul3A_111 = arith.muli %squeeze3A, %mul3A_110 : i32
      %add3A_112 = arith.constant 16 : i32
      %add3A_113 = arith.addi %mul3A_111, %add3A_112 : i32
      %get3A_114 = arith.index_cast %add3A_109 : i32 to index
      %get3A_115 = arith.index_cast %add3A_113 : i32 to index
      %get3A_116 = tpu.vector_load %arg8[%get3A_114, %get3A_115] {strides = array<i32>} : memref<512x128xf32, #tpu.memory_space<vmem>>, vector<1x16xf32>,
      %get3A_117 = vector.shape_cast %get3A_116 : vector<1x16xf32> to vector<16xf32>
      %swap3A_118 = arith.index_cast %scan3A_86 : i32 to index
      %swap3A_119 = arith.constant 16 : index
      %swap3A_120 = tpu.vector_load %arg9[%swap3A_118, %swap3A_119] {strides = array<i32>} : memref<128x128xf32, #tpu.memory_space<vmem>>, vector<1x16xf32>,
      %swap3A_121 = vector.shape_cast %swap3A_120 : vector<1x16xf32> to vector<16xf32>
      %swap3A_122 = vector.shape_cast %get3A_117 : vector<16xf32> to vector<1x16xf32>
      tpu.vector_store %arg9[%swap3A_118, %swap3A_119], %swap3A_122 {strides = array<i32>} : memref<128x128xf32, #tpu.memory_space<vmem>>, vector<1x16xf32>,
      %slice3A_123 = vector.extract_strided_slice %get3A_89 {offsets = [1], sizes = [1], strides = [1]} : vector<16xi32> to vector<1xi32>
      %squeeze3A_124 = vector.extract %slice3A_123[0] : i32 from vector<1xi32>
      %mul3A_125 = arith.constant 4 : i32
      %mul3A_126 = arith.muli %scan3A_86, %mul3A_125 : i32
      %add3A_127 = arith.constant 1 : i32
      %add3A_128 = arith.addi %mul3A_126, %add3A_127 : i32
      %mul3A_129 = arith.constant 32 : i32
      %mul3A_130 = arith.muli %squeeze3A_124, %mul3A_129 : i32
      %add3A_131 = arith.constant 0 : i32
      %add3A_132 = arith.addi %mul3A_130, %add3A_131 : i32
      %get3A_133 = arith.index_cast %add3A_128 : i32 to index
      %get3A_134 = arith.index_cast %add3A_132 : i32 to index
      %get3A_135 = tpu.vector_load %arg8[%get3A_133, %get3A_134] {strides = array<i32>} : memref<512x128xf32, #tpu.memory_space<vmem>>, vector<1x16xf32>,
      %get3A_136 = vector.shape_cast %get3A_135 : vector<1x16xf32> to vector<16xf32>
      %swap3A_137 = arith.index_cast %scan3A_86 : i32 to index
      %swap3A_138 = arith.constant 32 : index
      %swap3A_139 = tpu.vector_load %arg9[%swap3A_137, %swap3A_138] {strides = array<i32>} : memref<128x128xf32, #tpu.memory_space<vmem>>, vector<1x16xf32>,
      %swap3A_140 = vector.shape_cast %swap3A_139 : vector<1x16xf32> to vector<16xf32>
      %swap3A_141 = vector.shape_cast %get3A_136 : vector<16xf32> to vector<1x16xf32>
      tpu.vector_store %arg9[%swap3A_137, %swap3A_138], %swap3A_141 {strides = array<i32>} : memref<128x128xf32, #tpu.memory_space<vmem>>, vector<1x16xf32>,
      %mul3A_142 = arith.constant 4 : i32
      %mul3A_143 = arith.muli %scan3A_86, %mul3A_142 : i32
      %add3A_144 = arith.constant 1 : i32
      %add3A_145 = arith.addi %mul3A_143, %add3A_144 : i32
      %mul3A_146 = arith.constant 32 : i32
      %mul3A_147 = arith.muli %squeeze3A_124, %mul3A_146 : i32
      %add3A_148 = arith.constant 16 : i32
      %add3A_149 = arith.addi %mul3A_147, %add3A_148 : i32
      %get3A_150 = arith.index_cast %add3A_145 : i32 to index
      %get3A_151 = arith.index_cast %add3A_149 : i32 to index
      %get3A_152 = tpu.vector_load %arg8[%get3A_150, %get3A_151] {strides = array<i32>} : memref<512x128xf32, #tpu.memory_space<vmem>>, vector<1x16xf32>,
      %get3A_153 = vector.shape_cast %get3A_152 : vector<1x16xf32> to vector<16xf32>
      %swap3A_154 = arith.index_cast %scan3A_86 : i32 to index
      %swap3A_155 = arith.constant 48 : index
      %swap3A_156 = tpu.vector_load %arg9[%swap3A_154, %swap3A_155] {strides = array<i32>} : memref<128x128xf32, #tpu.memory_space<vmem>>, vector<1x16xf32>,
      %swap3A_157 = vector.shape_cast %swap3A_156 : vector<1x16xf32> to vector<16xf32>
      %swap3A_158 = vector.shape_cast %get3A_153 : vector<16xf32> to vector<1x16xf32>
      tpu.vector_store %arg9[%swap3A_154, %swap3A_155], %swap3A_158 {strides = array<i32>} : memref<128x128xf32, #tpu.memory_space<vmem>>, vector<1x16xf32>,
      %slice3A_159 = vector.extract_strided_slice %get3A_89 {offsets = [2], sizes = [1], strides = [1]} : vector<16xi32> to vector<1xi32>
      %squeeze3A_160 = vector.extract %slice3A_159[0] : i32 from vector<1xi32>
      %mul3A_161 = arith.constant 4 : i32
      %mul3A_162 = arith.muli %scan3A_86, %mul3A_161 : i32
      %add3A_163 = arith.constant 2 : i32
      %add3A_164 = arith.addi %mul3A_162, %add3A_163 : i32
      %mul3A_165 = arith.constant 32 : i32
      %mul3A_166 = arith.muli %squeeze3A_160, %mul3A_165 : i32
      %add3A_167 = arith.constant 0 : i32
      %add3A_168 = arith.addi %mul3A_166, %add3A_167 : i32
      %get3A_169 = arith.index_cast %add3A_164 : i32 to index
      %get3A_170 = arith.index_cast %add3A_168 : i32 to index
      %get3A_171 = tpu.vector_load %arg8[%get3A_169, %get3A_170] {strides = array<i32>} : memref<512x128xf32, #tpu.memory_space<vmem>>, vector<1x16xf32>,
      %get3A_172 = vector.shape_cast %get3A_171 : vector<1x16xf32> to vector<16xf32>
      %swap3A_173 = arith.index_cast %scan3A_86 : i32 to index
      %swap3A_174 = arith.constant 64 : index
      %swap3A_175 = tpu.vector_load %arg9[%swap3A_173, %swap3A_174] {strides = array<i32>} : memref<128x128xf32, #tpu.memory_space<vmem>>, vector<1x16xf32>,
      %swap3A_176 = vector.shape_cast %swap3A_175 : vector<1x16xf32> to vector<16xf32>
      %swap3A_177 = vector.shape_cast %get3A_172 : vector<16xf32> to vector<1x16xf32>
      tpu.vector_store %arg9[%swap3A_173, %swap3A_174], %swap3A_177 {strides = array<i32>} : memref<128x128xf32, #tpu.memory_space<vmem>>, vector<1x16xf32>,
      %mul3A_178 = arith.constant 4 : i32
      %mul3A_179 = arith.muli %scan3A_86, %mul3A_178 : i32
      %add3A_180 = arith.constant 2 : i32
      %add3A_181 = arith.addi %mul3A_179, %add3A_180 : i32
      %mul3A_182 = arith.constant 32 : i32
      %mul3A_183 = arith.muli %squeeze3A_160, %mul3A_182 : i32
      %add3A_184 = arith.constant 16 : i32
      %add3A_185 = arith.addi %mul3A_183, %add3A_184 : i32
      %get3A_186 = arith.index_cast %add3A_181 : i32 to index
      %get3A_187 = arith.index_cast %add3A_185 : i32 to index
      %get3A_188 = tpu.vector_load %arg8[%get3A_186, %get3A_187] {strides = array<i32>} : memref<512x128xf32, #tpu.memory_space<vmem>>, vector<1x16xf32>,
      %get3A_189 = vector.shape_cast %get3A_188 : vector<1x16xf32> to vector<16xf32>
      %swap3A_190 = arith.index_cast %scan3A_86 : i32 to index
      %swap3A_191 = arith.constant 80 : index
      %swap3A_192 = tpu.vector_load %arg9[%swap3A_190, %swap3A_191] {strides = array<i32>} : memref<128x128xf32, #tpu.memory_space<vmem>>, vector<1x16xf32>,
      %swap3A_193 = vector.shape_cast %swap3A_192 : vector<1x16xf32> to vector<16xf32>
      %swap3A_194 = vector.shape_cast %get3A_189 : vector<16xf32> to vector<1x16xf32>
      tpu.vector_store %arg9[%swap3A_190, %swap3A_191], %swap3A_194 {strides = array<i32>} : memref<128x128xf32, #tpu.memory_space<vmem>>, vector<1x16xf32>,
      %slice3A_195 = vector.extract_strided_slice %get3A_89 {offsets = [3], sizes = [1], strides = [1]} : vector<16xi32> to vector<1xi32>
      %squeeze3A_196 = vector.extract %slice3A_195[0] : i32 from vector<1xi32>
      %mul3A_197 = arith.constant 4 : i32
      %mul3A_198 = arith.muli %scan3A_86, %mul3A_197 : i32
      %add3A_199 = arith.constant 3 : i32
      %add3A_200 = arith.addi %mul3A_198, %add3A_199 : i32
      %mul3A_201 = arith.constant 32 : i32
      %mul3A_202 = arith.muli %squeeze3A_196, %mul3A_201 : i32
      %add3A_203 = arith.constant 0 : i32
      %add3A_204 = arith.addi %mul3A_202, %add3A_203 : i32
      %get3A_205 = arith.index_cast %add3A_200 : i32 to index
      %get3A_206 = arith.index_cast %add3A_204 : i32 to index
      %get3A_207 = tpu.vector_load %arg8[%get3A_205, %get3A_206] {strides = array<i32>} : memref<512x128xf32, #tpu.memory_space<vmem>>, vector<1x16xf32>,
      %get3A_208 = vector.shape_cast %get3A_207 : vector<1x16xf32> to vector<16xf32>
      %swap3A_209 = arith.index_cast %scan3A_86 : i32 to index
      %swap3A_210 = arith.constant 96 : index
      %swap3A_211 = tpu.vector_load %arg9[%swap3A_209, %swap3A_210] {strides = array<i32>} : memref<128x128xf32, #tpu.memory_space<vmem>>, vector<1x16xf32>,
      %swap3A_212 = vector.shape_cast %swap3A_211 : vector<1x16xf32> to vector<16xf32>
      %swap3A_213 = vector.shape_cast %get3A_208 : vector<16xf32> to vector<1x16xf32>
      tpu.vector_store %arg9[%swap3A_209, %swap3A_210], %swap3A_213 {strides = array<i32>} : memref<128x128xf32, #tpu.memory_space<vmem>>, vector<1x16xf32>,
      %mul3A_214 = arith.constant 4 : i32
      %mul3A_215 = arith.muli %scan3A_86, %mul3A_214 : i32
      %add3A_216 = arith.constant 3 : i32
      %add3A_217 = arith.addi %mul3A_215, %add3A_216 : i32
      %mul3A_218 = arith.constant 32 : i32
      %mul3A_219 = arith.muli %squeeze3A_196, %mul3A_218 : i32
      %add3A_220 = arith.constant 16 : i32
      %add3A_221 = arith.addi %mul3A_219, %add3A_220 : i32
      %get3A_222 = arith.index_cast %add3A_217 : i32 to index
      %get3A_223 = arith.index_cast %add3A_221 : i32 to index
      %get3A_224 = tpu.vector_load %arg8[%get3A_222, %get3A_223] {strides = array<i32>} : memref<512x128xf32, #tpu.memory_space<vmem>>, vector<1x16xf32>,
      %get3A_225 = vector.shape_cast %get3A_224 : vector<1x16xf32> to vector<16xf32>
      %swap3A_226 = arith.index_cast %scan3A_86 : i32 to index
      %swap3A_227 = arith.constant 112 : index
      %swap3A_228 = tpu.vector_load %arg9[%swap3A_226, %swap3A_227] {strides = array<i32>} : memref<128x128xf32, #tpu.memory_space<vmem>>, vector<1x16xf32>,
      %swap3A_229 = vector.shape_cast %swap3A_228 : vector<1x16xf32> to vector<16xf32>
      %swap3A_230 = vector.shape_cast %get3A_225 : vector<16xf32> to vector<1x16xf32>
      tpu.vector_store %arg9[%swap3A_226, %swap3A_227], %swap3A_230 {strides = array<i32>} : memref<128x128xf32, #tpu.memory_space<vmem>>, vector<1x16xf32>,
    }
    %scan3A_83 = arith.constant 128 : i32
    %mul3A_84 = arith.constant 128 : i32
    %mul3A_85 = arith.muli %add3A, %mul3A_84 : i32
    "tpu.region"() ({
      %run_scoped3A = tpu.sem_alloc : memref<!tpu.dma_semaphore, #tpu.memory_space<semaphore_mem>>
      %dma_start3A_86 = arith.constant 0 : i32
      %dma_start3A_87 = tpu.memref_slice %arg5[%mul3A_85, %dma_start3A_86] : memref<4096x128xf32, #tpu.memory_space<hbm>> -> memref<128x128xf32, #tpu.memory_space<hbm>>
      %dma_start3A_88 = arith.constant 0 : i32
      %dma_start3A_89 = tpu.memref_slice %arg5[%mul3A_85, %dma_start3A_88] : memref<4096x128xf32, #tpu.memory_space<hbm>> -> memref<128x128xf32, #tpu.memory_space<hbm>>
      tpu.enqueue_dma source(%arg9 : memref<128x128xf32, #tpu.memory_space<vmem>>) target(%dma_start3A_89 : memref<128x128xf32, #tpu.memory_space<hbm>>) target_semaphore(%run_scoped3A : memref<!tpu.dma_semaphore, #tpu.memory_space<semaphore_mem>>)
      %dma_wait3A_90 = arith.constant 0 : i32
      %dma_wait3A_91 = tpu.memref_slice %arg5[%mul3A_85, %dma_wait3A_90] : memref<4096x128xf32, #tpu.memory_space<hbm>> -> memref<128x128xf32, #tpu.memory_space<hbm>>
      %dma_wait3A_92 = arith.constant 0 : i32
      %dma_wait3A_93 = tpu.memref_slice %arg5[%mul3A_85, %dma_wait3A_92] : memref<4096x128xf32, #tpu.memory_space<hbm>> -> memref<128x128xf32, #tpu.memory_space<hbm>>
      tpu.wait_dma2 semaphore(%run_scoped3A : memref<!tpu.dma_semaphore, #tpu.memory_space<semaphore_mem>>) src(%arg9 : memref<128x128xf32, #tpu.memory_space<vmem>>) dst(%dma_wait3A_93 : memref<128x128xf32, #tpu.memory_space<hbm>>)
      tpu.yield
    }) : () -> ()
    return
  }
}

</mosaic_0001>

<sc_bundles>
// kernel: kernel.3.cloned.1.call-start
scs
__scs_entry_jumppad:
0x0: {  	(pc) =	sbr.rel $0x88, $3  }
0x1: {  	(tag) =	ssettag $0x0;
	lr =	simm.s32 $0x1  }
0x2: {  	[smem:$0x3F9F] =	sst lr;
	_ =	strace $0xD0000000  }
0x3: {  	_ = 	snop  }
0x4: {  	_ = 	snop  }
0x5: {  	_ = 	snop  }
0x6: {  	_ = 	snop  }
0x7: {  	_ = 	snop  }
__scs_overlays_trampoline_lowered:
0x8: {  	[smem:$0x3FAE] =	sst s0  }
0x9: {  	[smem:$0x3FAF] =	sst s1  }
0xa: {  	[smem:$0x3FB0] =	sst s2  }
0xb: {  	[smem:$0x3FB1] =	sst s3  }
0xc: {  	[smem:$0x3FB2] =	sst s4  }
0xd: {  	[smem:$0x3FB3] =	sst s5  }
0xe: {  	[smem:$0x3FB4] =	sst s6  }
0xf: {  	[smem:$0x3FB5] =	sst s7  }
0x10: {  	[smem:$0x3FB6] =	sst s8  }
0x11: {  	[smem:$0x3FB7] =	sst s9;
	s0 =	simm.s32 @!p0 $0x0  }
0x12: {  	s1 =	sld [smem:$0x3F9D];
	s0 =	simm.s32 @p0 $0x1  }
0x13: {  	[smem:$0x3FB8] =	sst s0;
	s0 =	simm.s32 @!p1 $0x0  }
0x14: {  	s2 =	sld [smem:$0x3F9C];
	s0 =	simm.s32 @p1 $0x1  }
0x15: {  	[smem:$0x3FB9] =	sst s0;
	s0 =	simm.s32 @!p2 $0x0  }
0x16: {  	s3 =	sld [smem:$0x3FDB];
	s0 =	simm.s32 @p2 $0x1  }
0x17: {  	s4 =	simm.s32 $0x1BF5;
	[smem:$0x3FBB] =	sst s0  }
0x18: {  	s0 =	sld [smem:$0x3F9E];
	_ =	swait.ge [sflag:s4], $0x0  }
0x19: {  	s7 =	sld [smem:$0x3F9F]  }
0x1a: {  	s8 =	sadd.s32 $0xFFFFE003, lr  }
0x1b: {  	s9 =	sadd.s32 $0xFFFFFEF7, lr;
	s5 =	simm.s32 $0xFFFFFFFF;
	p2 =	slt.u32 s8, $0xFFFFF086  }
0x1c: {  	p1 =	slt.u32 s9, $0xF7A;
	s5 =	simm.s32 @!p2 $0x0  }
0x1d: {  	s5 =	simm.s32 @p1 $0x1;
	p0 =	seq.s32 s7, s2  }
0x1e: {  	s7 =	smul.u32 @!p0 $0xF7A, s2;
	p2 =	seq.s32 @!p0 s5, $0x0  }
0x1f: {  	s9 =	smul.u32 $0xF7A, s1;
	s8 =	simm.s32 @!p0 $0x1BF5;
	p2 =	por !p2, p0  }
0x20: {  	[sflag:s8] =	ssyncset.s32 @!p0 $0xFFFFF086;
	s6 =	sadd.s32 @!p0 s3, s7;
	s7 =	simm.s32 @!p0 $0x108  }
0x21: {  	s3 =	sadd.s32 s3, s9;
	s6 =	sadd.s32 @!p0 $0x88, s6;
	s7 =	simm.s32 @p2 $0x1082  }
0x22: {  	[simem:s7], [sflag:s8] =	dma.local @!p0 [hbm:s6], $0xF7A  }
0x23: {  	s9 =	sor.u32 $0xD0000000, s2;
	s6 =	simm.s32 $0x108;
	_ =	swait.ge @!p0 [sflag:s8], $0x0  }
0x24: {  	s3 =	sadd.s32 $0x88, s3;
	s6 =	simm.s32 @!p1 $0x1082;
	[sflag:s4] =	ssyncset.s32 $0xFFFFF086  }
0x25: {  	[simem:s6], [sflag:s4] =	dma.local [hbm:s3], $0xF7A  }
0x26: {  	[smem:$0x3F9F] =	sst s1;
	(tag) =	ssettag s2;
	_ =	strace s9  }
0x27: {  	s1 =	sld [smem:$0x3FAF]  }
0x28: {  	s2 =	sld [smem:$0x3FB0]  }
0x29: {  	s4 =	sld [smem:$0x3FB2]  }
0x2a: {  	p0 =	seq.s32 s5, $0x0;
	s5 =	sld [smem:$0x3FB3]  }
0x2b: {  	s6 =	sld [smem:$0x3FB4]  }
0x2c: {  	s7 =	sld [smem:$0x3FB5]  }
0x2d: {  	s3 =	simm.s32 $0x108;
	s8 =	sld [smem:$0x3FB6]  }
0x2e: {  	s3 =	simm.s32 @!p0 $0x1082;
	s9 =	sld [smem:$0x3FB7]  }
0x2f: {  	lr =	sadd.s32 s0, s3;
	s0 =	sld [smem:$0x3FAE]  }
0x30: {  	s3 =	sld [smem:$0x3FB1]  }
0x31: {  	[smem:$0x3FBA] =	sst s10  }
0x32: {  	s10 =	sld [smem:$0x3FB8];
	_ =	sdelay $0x3  }
0x33: {  	p0 =	seq.s32 s10, $0x1;
	s10 =	sld [smem:$0x3FBA];
	_ =	sdelay $0x3  }
0x34: {  	[smem:$0x3FBA] =	sst s10  }
0x35: {  	s10 =	sld [smem:$0x3FB9];
	_ =	sdelay $0x3  }
0x36: {  	p1 =	seq.s32 s10, $0x1;
	s10 =	sld [smem:$0x3FBA];
	_ =	sdelay $0x3  }
0x37: {  	[smem:$0x3FBA] =	sst s10  }
0x38: {  	s10 =	sld [smem:$0x3FBB]  }
0x39: {  	_ = 	snop;
	(pc) =	sbr.ind lr, $3  }
0x3a: {  	_ = 	snop  }
0x3b: {  	_ = 	snop  }
0x3c: {  	p2 =	seq.s32 s10, $0x1;
	s10 =	sld [smem:$0x3FBA]  }
0x3d: {  	_ =	shalt  }
0x3e: {  	_ =	shalt  }
0x3f: {  	_ =	shalt  }
0x40: {  	_ =	shalt  }
0x41: {  	_ =	shalt  }
0x42: {  	_ =	shalt  }
0x43: {  	_ =	shalt  }
0x44: {  	_ =	shalt  }
0x45: {  	_ =	shalt  }
0x46: {  	_ =	shalt  }
0x47: {  	_ =	shalt  }
0x48: {  	_ =	shalt  }
0x49: {  	_ =	shalt  }
0x4a: {  	_ =	shalt  }
0x4b: {  	_ =	shalt  }
0x4c: {  	_ =	shalt  }
0x4d: {  	_ =	shalt  }
0x4e: {  	_ =	shalt  }
0x4f: {  	_ =	shalt  }
0x50: {  	_ =	shalt  }
0x51: {  	_ =	shalt  }
0x52: {  	_ =	shalt  }
0x53: {  	_ =	shalt  }
0x54: {  	_ =	shalt  }
0x55: {  	_ =	shalt  }
0x56: {  	_ =	shalt  }
0x57: {  	_ =	shalt  }
0x58: {  	_ =	shalt  }
0x59: {  	_ =	shalt  }
0x5a: {  	_ =	shalt  }
0x5b: {  	_ =	shalt  }
0x5c: {  	_ =	shalt  }
0x5d: {  	_ =	shalt  }
0x5e: {  	_ =	shalt  }
0x5f: {  	_ =	shalt  }
0x60: {  	_ =	shalt  }
0x61: {  	_ =	shalt  }
0x62: {  	_ =	shalt  }
0x63: {  	_ =	shalt  }
0x64: {  	_ =	shalt  }
0x65: {  	_ =	shalt  }
0x66: {  	_ =	shalt  }
0x67: {  	_ =	shalt  }
0x68: {  	_ =	shalt  }
0x69: {  	_ =	shalt  }
0x6a: {  	_ =	shalt  }
0x6b: {  	_ =	shalt  }
0x6c: {  	_ =	shalt  }
0x6d: {  	_ =	shalt  }
0x6e: {  	_ =	shalt  }
0x6f: {  	_ =	shalt  }
0x70: {  	_ =	shalt  }
0x71: {  	_ =	shalt  }
0x72: {  	_ =	shalt  }
0x73: {  	_ =	shalt  }
0x74: {  	_ =	shalt  }
0x75: {  	_ =	shalt  }
0x76: {  	_ =	shalt  }
0x77: {  	_ =	shalt  }
0x78: {  	_ =	shalt  }
0x79: {  	_ =	shalt  }
0x7a: {  	_ =	shalt  }
0x7b: {  	_ =	shalt  }
0x7c: {  	_ =	shalt  }
0x7d: {  	_ =	shalt  }
0x7e: {  	_ =	shalt  }
0x7f: {  	_ =	shalt  }
0x80: {  	_ =	shalt  }
0x81: {  	_ =	shalt  }
0x82: {  	_ =	shalt  }
0x83: {  	_ =	shalt  }
0x84: {  	_ =	shalt  }
0x85: {  	_ =	shalt  }
0x86: {  	_ =	shalt  }
0x87: {  	_ =	shalt  }
.Lfunc_end0:
.L_simem_size_0:
called_computation_lowered:
.L_overlay_start_0:
0x88: {  	s2 =	sld [smem:$0x3FD9]  }
0x89: {  	s3 =	sld [smem:$0x3FFE];
	_ =	sdelay $0x1  }
0x8a: {  	s1 =	srdreg.scid  }
0x8b: {  	s0 =	sand.u32 $0x1, s1  }
0x8c: {  	s17 =	sshll.u32 s0, $0xA;
	s2 =	sadd.s32 s3, s2  }
0x8d: {  	s2 =	sadd.s32 s2, s17  }
0x8e: {  	[smem:$0x3FC6] =	sst s2  }
0x8f: {  	_ = 	snop  }
0x90: {  	s2 =	sld [smem:$0x3FD0];
	(tm) =	ssettm $0x1  }
0x91: {  	s18 =	sld [smem:$0x3FFB];
	_ =	sdelay $0x3  }
0x92: {  	_ =	strace s18  }
0x93: {  	s3 =	sld [smem:$0x3FFC];
	_ =	sdelay $0x3  }
0x94: {  	_ =	strace s3  }
0x95: {  	s3 =	sld [smem:$0x3FFD];
	_ =	sdelay $0x3  }
0x96: {  	_ =	strace s3  }
0x97: {  	_ =	strace $0x8FFFFFFF  }
0x98: {  	s19 =	sld [smem:$0x3FDB];
	_ =	sdelay $0x1  }
0x99: {  	s4 =	simm.s32 $_scs_section_size  }
0x9a: {  	s5 =	simm.s32 $_size__tile_overlayer_lowered;
	s6 =	simm.s32 $_tile_overlayer_lowered  }
0x9b: {  	s22 =	simm.s32 $0x1BFF;
	s21 =	sshll.u32 s6, $0x1;
	s3 =	sadd.s32 s4, s19  }
0x9c: {  	s7 =	simm.s32 $0x0;
	s20 =	sshll.u32 s5, $0x1;
	s5 =	sadd.s32 s21, s3  }
0x9d: {  	[timem:s7], [sflag:s22] =	dma.local [hbm:s5], s20  }
0x9e: {  	_ =	swait.ge [sflag:s22], s20  }
0x9f: {  	s4 =	ssub.s32 $0x0, s20;
	[sflag:s22] =	ssyncset.done $0x0  }
0xa0: {  	[sflag:s22] =	ssyncadd.s32 s4;
	_ =	sdelay $0x1  }
0xa1: {  	s23 =	simm.s32 $0x1B8B  }
0xa2: {  	_ =	swait.ge [sflag:s23], $0x1  }
0xa3: {  	[sflag:s23] =	ssyncset.done $0x0  }
0xa4: {  	s25 =	simm.s32 $0x1B8E;
	s24 =	sld [smem:$0x3FFE];
	[sflag:s23] =	ssyncadd.s32 $0xFFFFFFFF  }
0xa5: {  	s26 =	simm.s32 $execute0_lowered;
	[smem:$0x3FD2] =	sst s25  }
0xa6: {  	s5 =	sshll.u32 s26, $0x1;
	_ =	strace $0x80000046;
	[dreg:$0x1] =	wrdreg $0xFFFFFFFF  }
0xa7: {  	s28 =	simm.s32 $_size_execute0_lowered;
	s3 =	sadd.s32 s3, s5;
	[dreg:$0x0] =	wrdreg $0x0  }
0xa8: {  	s5 =	sshll.u32 s28, $0x1;
	[dreg:$0x2] =	wrdreg s3  }
0xa9: {  	[dreg:$0x3] =	wrdreg s5  }
0xaa: {  	[dreg:$0x4] =	wrdreg $0xC0  }
0xab: {  	_ =	task [dreg:s7], $0x5FFFF  }
0xac: {  	[dreg:$0x1] =	wrdreg $0xFFFFFFFF  }
0xad: {  	[dreg:$0x0] =	wrdreg $0x60  }
0xae: {  	[dreg:$0x2] =	wrdreg s24  }
0xaf: {  	[dreg:$0x3] =	wrdreg s2  }
0xb0: {  	[dreg:$0x4] =	wrdreg $0x9  }
0xb1: {  	_ =	task.clear_ibuf [dreg:s7], $0x5FFFF;
	_ =	strace $0x90000046  }
0xb2: {  	s29 =	simm.s32 $0x9;
	_ =	strace $0x80000048  }
0xb3: {  	_ =	swait.ge [sflag:s29], $0x1  }
0xb4: {  	[sflag:s29] =	ssyncadd.s32 $0xFFFFFFFF  }
0xb5: {  	_ =	strace $0x90000048  }
0xb6: {  	_ =	sfence  }
0xb7: {  	s30 =	sld [smem:$0x0];
	_ =	sdelay $0x2  }
0xb8: {  	s31 =	sshll.u32 s1, $0xD;
	s1 =	sshrl.u32 s1, $0x2  }
0xb9: {  	s3 =	sand.u32 $0x4000, s31;
	s1 =	sadd.s32 s1, s30  }
0xba: {  	s0 =	sor.u32 s3, s0;
	s1 =	sshll.u32 s1, $0x11  }
0xbb: {  	s0 =	sor.u32 s1, s0  }
0xbc: {  	s0 =	sadd.s32 $0x8F2B, s0  }
0xbd: {  	[sflag:s0] =	ssyncadd.remote.s32 $0x1  }
0xbe: {  	_ =	sfence.sel $0xFFFF  }
0xbf: {  	[dreg:$0x0] =	wrdreg $0xFFFFFFFF;
	(pc) =	sbr.abs _section_cstart, $3  }
0xc0: {  	[dreg:$0x1] =	wrdreg $0xFFFFFFFF  }
0xc1: {  	_ =	task.clear_ibuf [dreg:s7], $0x2FFFF;
	_ =	strace $0x9FFFFFFF  }
0xc2: {  	(tm) =	ssettm $0x7FFFFFFF  }
0xc3: {  	_ =	shalt  }
tec
execute0_lowered:
.L_overlay_start_1:
0x0: {  	(tag) =	ssettag $0x1  }
0x1: {  	s4 =	rddreg [dreg:$0x0]  }
0x2: {  	s5 =	rddreg [dreg:$0x1]  }
0x3: {  	s0 =	rddreg [dreg:$0x2];
	s3 =	srdreg.scid  }
0x4: {  	s1 =	stileid.u32;
	s2 =	simm.s32 $0x0;
	s11 =	simm.s32 $0x8200  }
0x5: {  	s12 =	simm.s32 $0x100;
	s13 =	simm.s32 $0xC200;
	s14 =	simm.s32 $0x180  }
0x6: {  	s15 =	simm.s32 $0x10200;
	s16 =	simm.s32 $0x1;
	s17 =	simm.s32 $0x14200  }
0x7: {  	s3 =	sand.u32 $0x1, s3;
	s6 =	sshll.u32 s1, $0x1;
	[smem:$0x7FF] =	sst s2  }
0x8: {  	s18 =	simm.s32 $0x0;
	s6 =	sor.u32 s3, s6;
	_ =	strace $0x80000047  }
0x9: {  	s8 =	ssub.s32 $0x2, s3;
	s3 =	sadd.s32 $0xF43400, s4;
	s7 =	sshll.u32 s6, $0x6  }
0xa: {  	s6 =	sshll.u32 s6, $0xB;
	s9 =	sshrl.u32 s8, $0x1;
	s7 =	sadd.s32 s7, s4  }
0xb: {  	s10 =	sadd.s32 s6, s4;
	s8 =	ssub.s32 s8, s9;
	s5 =	sadd.s32 s5, s6  }
0xc: {  	s9 =	simm.s32 $0x80;
	s4 =	sadd.s32 $0x800, s7;
	s6 =	sadd.s32 $0x1000, s10  }
0xd: {  	s7 =	smax.u32 s8, $0x1;
	s8 =	simm.s32 $0x2;
	s10 =	simm.s32 $0x4200  }
.LBB2_1:
0xe: {  	[tilespmem:s2], [sflag:$0x2] =	stream.linear.gather [hbm4b:s4+s2], $0x200, $0x38;
	[tilespmem:$0x18200] =	vst v63  }
0xf: {  	_ =	swait.ge [sflag:s8], $0x200  }
0x10: {  	[sflag:s8] =	ssyncset.done $0x0  }
0x11: {  	s19 =	simm.s32 $0x200;
	[sflag:s8] =	ssyncadd.s32 $0xFFFFFE00  }
0x12: {  	[tilespmem:s19], [sflag:$0x2] =	stream.linear.gather [hbm4b:s5+s2], $0x4000, $0x38;
	[tilespmem:$0x18200] =	vst v63  }
0x13: {  	_ =	swait.ge [sflag:s8], $0x4000  }
0x14: {  	[sflag:s8] =	ssyncset.done $0x0  }
0x15: {  	[sflag:s8] =	ssyncadd.s32 $0xFFFFC000  }
0x16: {  	[tilespmem:s10], [sflag:$0x1] =	stream.indirect.gather [hbm4b:s3+s9], $0x80, s2, s9, $0xb8;
	[tilespmem:$0x18200] =	vst v63  }
0x17: {  	_ = 	snop  }
0x18: {  	[tilespmem:s11], [sflag:$0x1] =	stream.indirect.gather [hbm4b:s3+s9], $0x80, s9, s9, $0xb8;
	[tilespmem:$0x18200] =	vst v63  }
0x19: {  	_ = 	snop  }
0x1a: {  	[tilespmem:s13], [sflag:$0x1] =	stream.indirect.gather [hbm4b:s3+s9], $0x80, s12, s9, $0xb8;
	[tilespmem:$0x18200] =	vst v63  }
0x1b: {  	_ = 	snop  }
0x1c: {  	[tilespmem:s15], [sflag:$0x1] =	stream.indirect.gather [hbm4b:s3+s9], $0x80, s14, s9, $0xb8;
	[tilespmem:$0x18200] =	vst v63  }
0x1d: {  	_ =	swait.ge [sflag:s16], $0x4000  }
0x1e: {  	[sflag:s16] =	ssyncset.done $0x0  }
0x1f: {  	[sflag:s16] =	ssyncadd.s32 $0xFFFFC000  }
0x20: {  	_ =	swait.ge [sflag:s16], $0x4000  }
0x21: {  	[sflag:s16] =	ssyncset.done $0x0  }
0x22: {  	[sflag:s16] =	ssyncadd.s32 $0xFFFFC000  }
0x23: {  	_ =	swait.ge [sflag:s16], $0x4000  }
0x24: {  	[sflag:s16] =	ssyncset.done $0x0  }
0x25: {  	[sflag:s16] =	ssyncadd.s32 $0xFFFFC000  }
0x26: {  	_ =	swait.ge [sflag:s16], $0x4000  }
0x27: {  	[sflag:s16] =	ssyncset.done $0x0  }
0x28: {  	[sflag:s16] =	ssyncadd.s32 $0xFFFFC000  }
0x29: {  	v0 =	vld [tilespmem:s19+$0x0];
	_ =	sdelay $0x4  }
0x2a: {  	(v2sf) =	vpush v0, $0x0;
	_ =	sdelay $0xb  }
0x2b: {  	(v2sf) =	vpush v0, $0x1;
	_ =	sdelay $0x2  }
0x2c: {  	s20 =	spop (v2sf)  }
0x2d: {  	s21 =	sshll.u32 s20, $0x7;
	s20 =	sand.u32 $0x3, s20  }
0x2e: {  	s21 =	sand.u32 $0xFFFFFE00, s21;
	s20 =	sshll.u32 s20, $0x7  }
0x2f: {  	s20 =	sor.u32 s20, s21  }
0x30: {  	s20 =	sshra.s32 s20, $0x2  }
0x31: {  	s24 =	sadd.s32 $0x0, s20  }
0x32: {  	v1 =	vld [tilespmem:s24+$0x4200];
	_ =	sdelay $0x2  }
0x33: {  	(v2sf) =	vpush v0, $0x2  }
0x34: {  	s20 =	simm.s32 $0x14240  }
0x35: {  	[tilespmem:s20+$0xFFFFFFC0] =	vst v1  }
0x36: {  	s22 =	spop (v2sf);
	v1 =	vld [tilespmem:s24+$0x4210]  }
0x37: {  	s25 =	sshll.u32 s22, $0x7;
	s22 =	sand.u32 $0x3, s22  }
0x38: {  	s21 =	sand.u32 $0xFFFFFE00, s25;
	s22 =	sshll.u32 s22, $0x7  }
0x39: {  	s21 =	sor.u32 s22, s21  }
0x3a: {  	s21 =	sshra.s32 s21, $0x2  }
0x3b: {  	s21 =	sadd.s32 $0x0, s21;
	[tilespmem:s20+$0xFFFFFFD0] =	vst v1  }
0x3c: {  	v1 =	vld [tilespmem:s21+$0x4280];
	_ =	sdelay $0x2  }
0x3d: {  	(v2sf) =	vpush v0, $0x3;
	_ =	sdelay $0x1  }
0x3e: {  	[tilespmem:s20+$0xFFFFFFE0] =	vst v1  }
0x3f: {  	s26 =	spop (v2sf);
	v0 =	vld [tilespmem:s21+$0x4290]  }
0x40: {  	s28 =	sshll.u32 s26, $0x7;
	s22 =	sand.u32 $0x3, s26  }
0x41: {  	s22 =	sshll.u32 s22, $0x7;
	s21 =	sand.u32 $0xFFFFFE00, s28  }
0x42: {  	s21 =	sor.u32 s22, s21  }
0x43: {  	s21 =	sshra.s32 s21, $0x2  }
0x44: {  	s21 =	sadd.s32 $0x0, s21;
	[tilespmem:s20+$0xFFFFFFF0] =	vst v0  }
0x45: {  	v0 =	vld [tilespmem:s21+$0x4300];
	_ =	sdelay $0x4  }
0x46: {  	[tilespmem:s20+$0x0] =	vst v0  }
0x47: {  	s29 =	spop (v2sf);
	v0 =	vld [tilespmem:s21+$0x4310]  }
0x48: {  	s30 =	sshll.u32 s29, $0x7;
	s22 =	sand.u32 $0x3, s29  }
0x49: {  	s22 =	sshll.u32 s22, $0x7;
	s21 =	sand.u32 $0xFFFFFE00, s30  }
0x4a: {  	s21 =	sor.u32 s22, s21  }
0x4b: {  	s21 =	sshra.s32 s21, $0x2  }
0x4c: {  	s31 =	sadd.s32 $0x0, s21;
	[tilespmem:s20+$0x10] =	vst v0  }
0x4d: {  	v0 =	vld [tilespmem:s31+$0x4380];
	_ =	sdelay $0x4  }
0x4e: {  	[tilespmem:s20+$0x20] =	vst v0  }
0x4f: {  	s21 =	simm.s32 $0x800;
	v0 =	vld [tilespmem:s31+$0x4390]  }
.LBB2_2:
0x50: {  	_ =	sdelay $0x3  }
0x51: {  	p0 =	sne.s32 s21, $0x3F800;
	s19 =	sadd.s32 $0x80, s19;
	[tilespmem:s20+$0x30] =	vst v0;
	s20 =	sadd.s32 $0x80, s20  }
0x52: {  	s22 =	smov.u32 s21;
	s21 =	sadd.s32 $0x800, s21;
	v0 =	vld [tilespmem:s19+$0x0];
	_ =	sdelay $0x4  }
0x53: {  	(v2sf) =	vpush v0, $0x0  }
0x54: {  	(v2sf) =	vpush v0, $0x1;
	_ =	sdelay $0x2  }
0x55: {  	(v2sf) =	vpush v0, $0x2;
	_ =	sdelay $0x1  }
0x56: {  	(v2sf) =	vpush v0, $0x3;
	_ =	sdelay $0x8  }
0x57: {  	s22 =	sshra.s32 s22, $0x2;
	s23 =	spop (v2sf)  }
0x58: {  	s24 =	sshll.u32 s23, $0x7;
	s23 =	sand.u32 $0x3, s23;
	s25 =	spop (v2sf)  }
0x59: {  	s24 =	sand.u32 $0xFFFFFE00, s24;
	s23 =	sshll.u32 s23, $0x7;
	s26 =	sshll.u32 s25, $0x7  }
0x5a: {  	s25 =	sand.u32 $0x3, s25;
	s23 =	sor.u32 s23, s24;
	s24 =	sand.u32 $0xFFFFFE00, s26  }
0x5b: {  	s25 =	sshll.u32 s25, $0x7;
	s23 =	sshra.s32 s23, $0x2;
	s26 =	spop (v2sf)  }
0x5c: {  	s24 =	sor.u32 s25, s24;
	s23 =	sadd.s32 s22, s23;
	s25 =	sshll.u32 s26, $0x7  }
0x5d: {  	s24 =	sshra.s32 s24, $0x2;
	s26 =	sand.u32 $0x3, s26;
	v0 =	vld [tilespmem:s23+$0x4200];
	s28 =	spop (v2sf)  }
0x5e: {  	s25 =	sand.u32 $0xFFFFFE00, s25;
	s26 =	sshll.u32 s26, $0x7;
	s29 =	sshll.u32 s28, $0x7  }
0x5f: {  	s25 =	sor.u32 s26, s25;
	s28 =	sand.u32 $0x3, s28;
	s26 =	sand.u32 $0xFFFFFE00, s29  }
0x60: {  	s25 =	sshra.s32 s25, $0x2;
	s28 =	sshll.u32 s28, $0x7  }
0x61: {  	s26 =	sor.u32 s28, s26  }
0x62: {  	s26 =	sshra.s32 s26, $0x2;
	[tilespmem:s20+$0xFFFFFFC0] =	vst v0  }
0x63: {  	v0 =	vld [tilespmem:s23+$0x4210];
	_ =	sdelay $0x4  }
0x64: {  	s23 =	sadd.s32 s22, s24;
	[tilespmem:s20+$0xFFFFFFD0] =	vst v0  }
0x65: {  	v0 =	vld [tilespmem:s23+$0x4280];
	_ =	sdelay $0x4  }
0x66: {  	[tilespmem:s20+$0xFFFFFFE0] =	vst v0  }
0x67: {  	v0 =	vld [tilespmem:s23+$0x4290];
	_ =	sdelay $0x4  }
0x68: {  	s23 =	sadd.s32 s22, s25;
	[tilespmem:s20+$0xFFFFFFF0] =	vst v0  }
0x69: {  	v0 =	vld [tilespmem:s23+$0x4300];
	_ =	sdelay $0x4  }
0x6a: {  	[tilespmem:s20+$0x0] =	vst v0  }
0x6b: {  	v0 =	vld [tilespmem:s23+$0x4310];
	_ =	sdelay $0x4  }
0x6c: {  	s22 =	sadd.s32 s22, s26;
	[tilespmem:s20+$0x10] =	vst v0  }
0x6d: {  	v0 =	vld [tilespmem:s22+$0x4380];
	_ =	sdelay $0x1  }
.Ltmp0:
0x6e: {  	(pc) =	sbr.rel @p0 .LBB2_2-.Ltmp0, $3  }
0x6f: {  	_ =	sdelay $0x1  }
0x70: {  	[tilespmem:s20+$0x20] =	vst v0  }
0x71: {  	v0 =	vld [tilespmem:s22+$0x4390]  }
0x72: {  	_ =	sdelay $0x1  }
0x73: {  	s18 =	sadd.s32 $0x1, s18  }
0x74: {  	p0 =	sne.s32 s18, s7  }
.Ltmp1:
0x75: {  	[tilespmem:s20+$0x30] =	vst v0;
	(pc) =	sbr.rel @p0 .LBB2_1-.Ltmp1, $4  }
0x76: {  	[hbm4b:s6+s2] =	stream.linear.scatter [tilespmem:s17], [sflag:$0x2], $0x4000, $0x38;
	[tilespmem:$0x18200] =	vst v63  }
0x77: {  	_ =	swait.ge [sflag:s8], $0x4000  }
0x78: {  	[sflag:s8] =	ssyncset.done $0x0  }
0x79: {  	[sflag:s8] =	ssyncadd.s32 $0xFFFFC000  }
0x7a: {  	_ =	sfence.sel $0x180000  }
0x7b: {  	[bflag:$0x0] =	sbarrier.arrive $0xFFFF  }
0x7c: {  	p0 =	sne.s32 s1, $0x0;
	_ =	strace $0x90000047  }
0x7d: {  	s0 =	sadd.s32 @!p0 $0x100000, s0;
	[bflag:$0x2] =	sbarrier.arrive $0xFFFF  }
0x7e: {  	[sflag:s0] =	ssyncadd.tile.s32 @!p0 $0x1;
	_ =	shalt  }
.Lfunc_end2:
_tile_overlayer_lowered:
.L_overlay_start_2:
0x7f: {  	(tag) =	ssettag $0x2  }
0x80: {  	s0 =	rddreg [dreg:$0x0];
	s2 =	stileid.u32  }
0x81: {  	s1 =	rddreg [dreg:$0x1];
	p0 =	sne.s32 s2, $0x0  }
0x82: {  	s3 =	rddreg [dreg:$0x2];
	[bflag:$0x3] =	sbarrier.arrive $0xFFFF;
	s2 =	simm.s32 @!p0 $0x1C02  }
0x83: {  	[timem:s3], [sflag:s2] =	dma.local @!p0 [hbm:s0], s1  }
0x84: {  	s0 =	simm.s32 @!p0 $0x2  }
0x85: {  	_ =	swait.ge @!p0 [sflag:s0], s1  }
0x86: {  	s1 =	ssub.s32 @!p0 $0x0, s1;
	[sflag:s0] =	ssyncset.done @!p0 $0x0  }
0x87: {  	[sflag:s0] =	ssyncadd.s32 @!p0 s1  }
0x88: {  	[bflag:$0x3] =	sbarrier.arrive $0xFFFF  }
0x89: {  	_ =	shalt  }

</sc_bundles>
